<compile_context>
chip_gen: v7x
topology: tpu7x:2x2x1
jax: 0.10.2.dev20260603
libtpu: 0.0.44.dev20260713+nightly
codegen_flags: <defaults>
</compile_context>

<pallas_src>
import functools
import math

import jax
import jax.numpy as jnp
from jax import lax
from jax.experimental import pallas as pl
from jax.experimental.pallas import tpu as pltpu
from jax.experimental.pallas import tpu_sc as plsc

NUM_BUCKETS = 32
MAX_DISTANCE = 128
NUM_HEADS = 16
QLEN = 2048
KLEN = 2048

VLONG = 4224
TBL = 3968
NUM_TILES = 32
INFLIGHT = 8


def _table_body(delta_ref, w_ref, out_ref):
    c = 15 - pl.program_id(0)
    delta = delta_ref[0]
    max_exact = NUM_BUCKETS // 2
    n = lax.broadcasted_iota(jnp.int32, (1, VLONG), 1) + 8 * c
    d = n - (QLEN - 1) + delta
    rp = -jnp.minimum(d, jnp.zeros_like(d))
    is_small = rp < max_exact
    val_large = max_exact + (
        jnp.log(rp.astype(jnp.float32) / max_exact + 1.0)
        / math.log(MAX_DISTANCE / max_exact)
        * (NUM_BUCKETS - max_exact)
    ).astype(jnp.int32)
    val_large = jnp.minimum(val_large, jnp.full_like(val_large, NUM_BUCKETS - 1))
    bucket = jnp.where(is_small, rp, val_large)
    b_iota = lax.broadcasted_iota(jnp.int32, (NUM_BUCKETS, VLONG), 0)
    onehot = (bucket == b_iota).astype(jnp.float32)
    vc = lax.dot_general(w_ref[...], onehot, (((0,), (0,)), ((), ())),
                         preferred_element_type=jnp.float32)
    for a in range(8):
        out_ref[:, a, :] = lax.slice(vc, (0, 7 - a), (NUM_HEADS, 7 - a + TBL))


def _build_tables(delta, W):
    return pl.pallas_call(
        _table_body,
        grid=(16,),
        out_shape=jax.ShapeDtypeStruct((NUM_HEADS, 128, TBL), jnp.float32),
        in_specs=[
            pl.BlockSpec(memory_space=pltpu.SMEM),
            pl.BlockSpec((NUM_BUCKETS, NUM_HEADS), lambda g: (0, 0)),
        ],
        out_specs=pl.BlockSpec((NUM_HEADS, 8, TBL), lambda g: (0, g, 0)),
    )(delta, W)


@functools.cache
def _make_expand():
    @functools.partial(
        pl.kernel,
        mesh=plsc.VectorSubcoreMesh(core_axis_name="c", subcore_axis_name="s"),
        out_type=jax.ShapeDtypeStruct((NUM_HEADS, QLEN, KLEN), jnp.float32),
        scratch_types=[pltpu.SemaphoreType.DMA],
    )
    def _expand(t_hbm, out_hbm, sem):
        wid = lax.axis_index("s") * 2 + lax.axis_index("c")
        h = wid // 2
        half = wid % 2
        base = half * (QLEN // 2)
        copies = []
        for b in range(8):
            i0 = base + b * 128
            col = (QLEN - 128) - i0
            copies.append(pltpu.async_copy(
                t_hbm.at[h, :, pl.ds(pl.multiple_of(col, 128), KLEN)],
                out_hbm.at[h, pl.ds(pl.multiple_of(i0, 128), 128), :],
                sem))
        for cp in copies:
            cp.wait()

    return _expand


def kernel(qlen, klen, W):
    delta = (jnp.asarray(klen, jnp.int32) - jnp.asarray(qlen, jnp.int32)).reshape((1,))
    tbl = _build_tables(delta, W.astype(jnp.float32))
    return _make_expand()(tbl)

# --- scband reference (transcript-rebuilt; emitter-appended) ---
"""Pipeline reference for scband-relative-position-bias-56401510531334 (READ-ONLY COPY).

The authoritative reference and input builder live on the scoring server;
editing this copy changes nothing except your own understanding.
"""

import math
import jax, jax.numpy as jnp
import numpy as np

NUM_BUCKETS = 32
MAX_DISTANCE = 128
NUM_HEADS = 16

QLEN_STATIC = 2048
KLEN_STATIC = 2048


def setup_inputs(seed: int = 0) -> dict:
    key = jax.random.key(seed)
    W = jax.random.normal(key, (NUM_BUCKETS, NUM_HEADS), dtype=jnp.float32) * 0.02
    return {"qlen": 2048, "klen": 2048, "W": W}


def _relative_position_bucket(relative_position, num_buckets=NUM_BUCKETS, max_distance=MAX_DISTANCE):
    rp = -jnp.minimum(relative_position, jnp.zeros_like(relative_position))
    max_exact = num_buckets // 2
    is_small = rp < max_exact
    val_if_large = max_exact + (
        jnp.log(rp.astype(jnp.float32) / max_exact + 1.0)
        / math.log(max_distance / max_exact)
        * (num_buckets - max_exact)
    ).astype(jnp.int32)
    val_if_large = jnp.minimum(val_if_large, jnp.full_like(val_if_large, num_buckets - 1))
    return jnp.where(is_small, rp, val_if_large)


def reference(qlen, klen, W):
    q_resid = jnp.asarray(qlen, dtype=jnp.int32) - QLEN_STATIC
    k_resid = jnp.asarray(klen, dtype=jnp.int32) - KLEN_STATIC
    context_position = (jnp.arange(QLEN_STATIC, dtype=jnp.int32) + q_resid)[:, None]
    memory_position = (jnp.arange(KLEN_STATIC, dtype=jnp.int32) + k_resid)[None, :]
    relative_position = memory_position - context_position
    rp_bucket = _relative_position_bucket(relative_position)
    values = jnp.take(W, rp_bucket, axis=0)  # [qlen, klen, num_heads]
    return jnp.transpose(values, (2, 0, 1))  # [num_heads, qlen, klen]

if __name__ == "__main__":
    import jax
    _d = setup_inputs()
    print(jax.jit(kernel)(*tuple(_d.values())))

</pallas_src>

<mosaic_0001>
#map = affine_map<(d0, d1) -> (0, 0, 0)>
module attributes {stable_mosaic.version = 14 : i64} {
  func.func @_expand(%arg0: i32, %arg1: i32, %arg2: memref<16x128x3968xf32, #tpu.memory_space<hbm>>, %arg3: memref<16x2048x2048xf32, #tpu.memory_space<hbm>>, %arg4: memref<!tpu.dma_semaphore, #tpu.memory_space<semaphore_mem>>) attributes {dimension_semantics = [#tpu.dimension_semantics<core_parallel>, #tpu.dimension_semantics<subcore_parallel>], iteration_bounds = array<i64: 2, 16>, scalar_prefetch = 0 : i64, scratch_operands = 1 : i64, tpu.core_type = #tpu.core_type<sc_vector_subcore>, window_params = [{transform_indices = #map}, {transform_indices = #map}]} {
    %mul3A = arith.constant 2 : i32
    %mul3A_0 = arith.muli %arg1, %mul3A : i32
    %add3A = arith.addi %mul3A_0, %arg0 : i32
    %jit3A = arith.constant 2 : i32
    %div3A = arith.divsi %add3A, %jit3A : i32
    %sign3A = arith.constant 0 : i32
    %sign3A_1 = arith.cmpi sgt, %add3A, %sign3A : i32
    %sign3A_2 = arith.extui %sign3A_1 : i1 to i32
    %sign3A_3 = arith.constant 0 : i32
    %sign3A_4 = arith.cmpi slt, %add3A, %sign3A_3 : i32
    %sign3A_5 = arith.extui %sign3A_4 : i1 to i32
    %sign3A_6 = arith.subi %sign3A_2, %sign3A_5 : i32
    %sign3A_7 = arith.constant 0 : i32
    %sign3A_8 = arith.cmpi sgt, %jit3A, %sign3A_7 : i32
    %sign3A_9 = arith.extui %sign3A_8 : i1 to i32
    %sign3A_10 = arith.constant 0 : i32
    %sign3A_11 = arith.cmpi slt, %jit3A, %sign3A_10 : i32
    %sign3A_12 = arith.extui %sign3A_11 : i1 to i32
    %sign3A_13 = arith.subi %sign3A_9, %sign3A_12 : i32
    %ne3A = arith.cmpi ne, %sign3A_6, %sign3A_13 : i32
    %rem3A = arith.remsi %add3A, %jit3A : i32
    %ne3A_14 = arith.constant 0 : i32
    %ne3A_15 = arith.cmpi ne, %rem3A, %ne3A_14 : i32
    %and3A = arith.andi %ne3A, %ne3A_15 : i1
    %sub3A = arith.constant 1 : i32
    %sub3A_16 = arith.subi %div3A, %sub3A : i32
    %select_n3A = arith.select %and3A, %sub3A_16, %div3A : i32
    %jit3A_17 = arith.constant 2 : i32
    %eq3A = arith.constant 0 : i32
    %eq3A_18 = arith.cmpi eq, %jit3A_17, %eq3A : i32
    %jit3A_19 = arith.constant 1 : i32
    %select_n3A_20 = arith.select %eq3A_18, %jit3A_19, %jit3A_17 : i32
    %rem3A_21 = arith.remsi %add3A, %select_n3A_20 : i32
    %ne3A_22 = arith.constant 0 : i32
    %ne3A_23 = arith.cmpi ne, %rem3A_21, %ne3A_22 : i32
    %lt3A = arith.constant 0 : i32
    %lt3A_24 = arith.cmpi slt, %rem3A_21, %lt3A : i32
    %lt3A_25 = arith.constant 0 : i32
    %lt3A_26 = arith.cmpi slt, %select_n3A_20, %lt3A_25 : i32
    %ne3A_27 = arith.xori %lt3A_24, %lt3A_26 : i1
    %and3A_28 = arith.andi %ne3A_27, %ne3A_23 : i1
    %add3A_29 = arith.addi %rem3A_21, %select_n3A_20 : i32
    %select_n3A_30 = arith.select %and3A_28, %add3A_29, %rem3A_21 : i32
    %mul3A_31 = arith.constant 1024 : i32
    %mul3A_32 = arith.muli %select_n3A_30, %mul3A_31 : i32
    %add3A_33 = arith.constant 0 : i32
    %add3A_34 = arith.addi %mul3A_32, %add3A_33 : i32
    %sub3A_35 = arith.constant 1920 : i32
    %sub3A_36 = arith.subi %sub3A_35, %add3A_34 : i32
    %multiple_of3A = tpu.assume_multiple %sub3A_36, 128 : i32
    %multiple_of3A_37 = tpu.assume_multiple %add3A_34, 128 : i32
    %dma_start3A = arith.constant 0 : i32
    %dma_start3A_38 = tpu.memref_slice %arg3[%select_n3A, %multiple_of3A_37, %dma_start3A] : memref<16x2048x2048xf32, #tpu.memory_space<hbm>> -> memref<1x128x2048xf32, #tpu.memory_space<hbm>>
    %dma_start3A_39 = tpu.memref_squeeze %dma_start3A_38 : memref<1x128x2048xf32, #tpu.memory_space<hbm>> -> memref<128x2048xf32, #tpu.memory_space<hbm>>
    %dma_start3A_40 = arith.constant 0 : i32
    %dma_start3A_41 = tpu.memref_slice %arg2[%select_n3A, %dma_start3A_40, %multiple_of3A] : memref<16x128x3968xf32, #tpu.memory_space<hbm>> -> memref<1x128x2048xf32, #tpu.memory_space<hbm>>
    %dma_start3A_42 = tpu.memref_squeeze %dma_start3A_41 : memref<1x128x2048xf32, #tpu.memory_space<hbm>> -> memref<128x2048xf32, #tpu.memory_space<hbm>>
    tpu.enqueue_dma source(%dma_start3A_42 : memref<128x2048xf32, #tpu.memory_space<hbm>>) target(%dma_start3A_39 : memref<128x2048xf32, #tpu.memory_space<hbm>>) target_semaphore(%arg4 : memref<!tpu.dma_semaphore, #tpu.memory_space<semaphore_mem>>)
    %add3A_43 = arith.constant 128 : i32
    %add3A_44 = arith.addi %mul3A_32, %add3A_43 : i32
    %sub3A_45 = arith.constant 1920 : i32
    %sub3A_46 = arith.subi %sub3A_45, %add3A_44 : i32
    %multiple_of3A_47 = tpu.assume_multiple %sub3A_46, 128 : i32
    %multiple_of3A_48 = tpu.assume_multiple %add3A_44, 128 : i32
    %dma_start3A_49 = arith.constant 0 : i32
    %dma_start3A_50 = tpu.memref_slice %arg3[%select_n3A, %multiple_of3A_48, %dma_start3A_49] : memref<16x2048x2048xf32, #tpu.memory_space<hbm>> -> memref<1x128x2048xf32, #tpu.memory_space<hbm>>
    %dma_start3A_51 = tpu.memref_squeeze %dma_start3A_50 : memref<1x128x2048xf32, #tpu.memory_space<hbm>> -> memref<128x2048xf32, #tpu.memory_space<hbm>>
    %dma_start3A_52 = arith.constant 0 : i32
    %dma_start3A_53 = tpu.memref_slice %arg2[%select_n3A, %dma_start3A_52, %multiple_of3A_47] : memref<16x128x3968xf32, #tpu.memory_space<hbm>> -> memref<1x128x2048xf32, #tpu.memory_space<hbm>>
    %dma_start3A_54 = tpu.memref_squeeze %dma_start3A_53 : memref<1x128x2048xf32, #tpu.memory_space<hbm>> -> memref<128x2048xf32, #tpu.memory_space<hbm>>
    tpu.enqueue_dma source(%dma_start3A_54 : memref<128x2048xf32, #tpu.memory_space<hbm>>) target(%dma_start3A_51 : memref<128x2048xf32, #tpu.memory_space<hbm>>) target_semaphore(%arg4 : memref<!tpu.dma_semaphore, #tpu.memory_space<semaphore_mem>>)
    %add3A_55 = arith.constant 256 : i32
    %add3A_56 = arith.addi %mul3A_32, %add3A_55 : i32
    %sub3A_57 = arith.constant 1920 : i32
    %sub3A_58 = arith.subi %sub3A_57, %add3A_56 : i32
    %multiple_of3A_59 = tpu.assume_multiple %sub3A_58, 128 : i32
    %multiple_of3A_60 = tpu.assume_multiple %add3A_56, 128 : i32
    %dma_start3A_61 = arith.constant 0 : i32
    %dma_start3A_62 = tpu.memref_slice %arg3[%select_n3A, %multiple_of3A_60, %dma_start3A_61] : memref<16x2048x2048xf32, #tpu.memory_space<hbm>> -> memref<1x128x2048xf32, #tpu.memory_space<hbm>>
    %dma_start3A_63 = tpu.memref_squeeze %dma_start3A_62 : memref<1x128x2048xf32, #tpu.memory_space<hbm>> -> memref<128x2048xf32, #tpu.memory_space<hbm>>
    %dma_start3A_64 = arith.constant 0 : i32
    %dma_start3A_65 = tpu.memref_slice %arg2[%select_n3A, %dma_start3A_64, %multiple_of3A_59] : memref<16x128x3968xf32, #tpu.memory_space<hbm>> -> memref<1x128x2048xf32, #tpu.memory_space<hbm>>
    %dma_start3A_66 = tpu.memref_squeeze %dma_start3A_65 : memref<1x128x2048xf32, #tpu.memory_space<hbm>> -> memref<128x2048xf32, #tpu.memory_space<hbm>>
    tpu.enqueue_dma source(%dma_start3A_66 : memref<128x2048xf32, #tpu.memory_space<hbm>>) target(%dma_start3A_63 : memref<128x2048xf32, #tpu.memory_space<hbm>>) target_semaphore(%arg4 : memref<!tpu.dma_semaphore, #tpu.memory_space<semaphore_mem>>)
    %add3A_67 = arith.constant 384 : i32
    %add3A_68 = arith.addi %mul3A_32, %add3A_67 : i32
    %sub3A_69 = arith.constant 1920 : i32
    %sub3A_70 = arith.subi %sub3A_69, %add3A_68 : i32
    %multiple_of3A_71 = tpu.assume_multiple %sub3A_70, 128 : i32
    %multiple_of3A_72 = tpu.assume_multiple %add3A_68, 128 : i32
    %dma_start3A_73 = arith.constant 0 : i32
    %dma_start3A_74 = tpu.memref_slice %arg3[%select_n3A, %multiple_of3A_72, %dma_start3A_73] : memref<16x2048x2048xf32, #tpu.memory_space<hbm>> -> memref<1x128x2048xf32, #tpu.memory_space<hbm>>
    %dma_start3A_75 = tpu.memref_squeeze %dma_start3A_74 : memref<1x128x2048xf32, #tpu.memory_space<hbm>> -> memref<128x2048xf32, #tpu.memory_space<hbm>>
    %dma_start3A_76 = arith.constant 0 : i32
    %dma_start3A_77 = tpu.memref_slice %arg2[%select_n3A, %dma_start3A_76, %multiple_of3A_71] : memref<16x128x3968xf32, #tpu.memory_space<hbm>> -> memref<1x128x2048xf32, #tpu.memory_space<hbm>>
    %dma_start3A_78 = tpu.memref_squeeze %dma_start3A_77 : memref<1x128x2048xf32, #tpu.memory_space<hbm>> -> memref<128x2048xf32, #tpu.memory_space<hbm>>
    tpu.enqueue_dma source(%dma_start3A_78 : memref<128x2048xf32, #tpu.memory_space<hbm>>) target(%dma_start3A_75 : memref<128x2048xf32, #tpu.memory_space<hbm>>) target_semaphore(%arg4 : memref<!tpu.dma_semaphore, #tpu.memory_space<semaphore_mem>>)
    %add3A_79 = arith.constant 512 : i32
    %add3A_80 = arith.addi %mul3A_32, %add3A_79 : i32
    %sub3A_81 = arith.constant 1920 : i32
    %sub3A_82 = arith.subi %sub3A_81, %add3A_80 : i32
    %multiple_of3A_83 = tpu.assume_multiple %sub3A_82, 128 : i32
    %multiple_of3A_84 = tpu.assume_multiple %add3A_80, 128 : i32
    %dma_start3A_85 = arith.constant 0 : i32
    %dma_start3A_86 = tpu.memref_slice %arg3[%select_n3A, %multiple_of3A_84, %dma_start3A_85] : memref<16x2048x2048xf32, #tpu.memory_space<hbm>> -> memref<1x128x2048xf32, #tpu.memory_space<hbm>>
    %dma_start3A_87 = tpu.memref_squeeze %dma_start3A_86 : memref<1x128x2048xf32, #tpu.memory_space<hbm>> -> memref<128x2048xf32, #tpu.memory_space<hbm>>
    %dma_start3A_88 = arith.constant 0 : i32
    %dma_start3A_89 = tpu.memref_slice %arg2[%select_n3A, %dma_start3A_88, %multiple_of3A_83] : memref<16x128x3968xf32, #tpu.memory_space<hbm>> -> memref<1x128x2048xf32, #tpu.memory_space<hbm>>
    %dma_start3A_90 = tpu.memref_squeeze %dma_start3A_89 : memref<1x128x2048xf32, #tpu.memory_space<hbm>> -> memref<128x2048xf32, #tpu.memory_space<hbm>>
    tpu.enqueue_dma source(%dma_start3A_90 : memref<128x2048xf32, #tpu.memory_space<hbm>>) target(%dma_start3A_87 : memref<128x2048xf32, #tpu.memory_space<hbm>>) target_semaphore(%arg4 : memref<!tpu.dma_semaphore, #tpu.memory_space<semaphore_mem>>)
    %add3A_91 = arith.constant 640 : i32
    %add3A_92 = arith.addi %mul3A_32, %add3A_91 : i32
    %sub3A_93 = arith.constant 1920 : i32
    %sub3A_94 = arith.subi %sub3A_93, %add3A_92 : i32
    %multiple_of3A_95 = tpu.assume_multiple %sub3A_94, 128 : i32
    %multiple_of3A_96 = tpu.assume_multiple %add3A_92, 128 : i32
    %dma_start3A_97 = arith.constant 0 : i32
    %dma_start3A_98 = tpu.memref_slice %arg3[%select_n3A, %multiple_of3A_96, %dma_start3A_97] : memref<16x2048x2048xf32, #tpu.memory_space<hbm>> -> memref<1x128x2048xf32, #tpu.memory_space<hbm>>
    %dma_start3A_99 = tpu.memref_squeeze %dma_start3A_98 : memref<1x128x2048xf32, #tpu.memory_space<hbm>> -> memref<128x2048xf32, #tpu.memory_space<hbm>>
    %dma_start3A_100 = arith.constant 0 : i32
    %dma_start3A_101 = tpu.memref_slice %arg2[%select_n3A, %dma_start3A_100, %multiple_of3A_95] : memref<16x128x3968xf32, #tpu.memory_space<hbm>> -> memref<1x128x2048xf32, #tpu.memory_space<hbm>>
    %dma_start3A_102 = tpu.memref_squeeze %dma_start3A_101 : memref<1x128x2048xf32, #tpu.memory_space<hbm>> -> memref<128x2048xf32, #tpu.memory_space<hbm>>
    tpu.enqueue_dma source(%dma_start3A_102 : memref<128x2048xf32, #tpu.memory_space<hbm>>) target(%dma_start3A_99 : memref<128x2048xf32, #tpu.memory_space<hbm>>) target_semaphore(%arg4 : memref<!tpu.dma_semaphore, #tpu.memory_space<semaphore_mem>>)
    %add3A_103 = arith.constant 768 : i32
    %add3A_104 = arith.addi %mul3A_32, %add3A_103 : i32
    %sub3A_105 = arith.constant 1920 : i32
    %sub3A_106 = arith.subi %sub3A_105, %add3A_104 : i32
    %multiple_of3A_107 = tpu.assume_multiple %sub3A_106, 128 : i32
    %multiple_of3A_108 = tpu.assume_multiple %add3A_104, 128 : i32
    %dma_start3A_109 = arith.constant 0 : i32
    %dma_start3A_110 = tpu.memref_slice %arg3[%select_n3A, %multiple_of3A_108, %dma_start3A_109] : memref<16x2048x2048xf32, #tpu.memory_space<hbm>> -> memref<1x128x2048xf32, #tpu.memory_space<hbm>>
    %dma_start3A_111 = tpu.memref_squeeze %dma_start3A_110 : memref<1x128x2048xf32, #tpu.memory_space<hbm>> -> memref<128x2048xf32, #tpu.memory_space<hbm>>
    %dma_start3A_112 = arith.constant 0 : i32
    %dma_start3A_113 = tpu.memref_slice %arg2[%select_n3A, %dma_start3A_112, %multiple_of3A_107] : memref<16x128x3968xf32, #tpu.memory_space<hbm>> -> memref<1x128x2048xf32, #tpu.memory_space<hbm>>
    %dma_start3A_114 = tpu.memref_squeeze %dma_start3A_113 : memref<1x128x2048xf32, #tpu.memory_space<hbm>> -> memref<128x2048xf32, #tpu.memory_space<hbm>>
    tpu.enqueue_dma source(%dma_start3A_114 : memref<128x2048xf32, #tpu.memory_space<hbm>>) target(%dma_start3A_111 : memref<128x2048xf32, #tpu.memory_space<hbm>>) target_semaphore(%arg4 : memref<!tpu.dma_semaphore, #tpu.memory_space<semaphore_mem>>)
    %add3A_115 = arith.constant 896 : i32
    %add3A_116 = arith.addi %mul3A_32, %add3A_115 : i32
    %sub3A_117 = arith.constant 1920 : i32
    %sub3A_118 = arith.subi %sub3A_117, %add3A_116 : i32
    %multiple_of3A_119 = tpu.assume_multiple %sub3A_118, 128 : i32
    %multiple_of3A_120 = tpu.assume_multiple %add3A_116, 128 : i32
    %dma_start3A_121 = arith.constant 0 : i32
    %dma_start3A_122 = tpu.memref_slice %arg3[%select_n3A, %multiple_of3A_120, %dma_start3A_121] : memref<16x2048x2048xf32, #tpu.memory_space<hbm>> -> memref<1x128x2048xf32, #tpu.memory_space<hbm>>
    %dma_start3A_123 = tpu.memref_squeeze %dma_start3A_122 : memref<1x128x2048xf32, #tpu.memory_space<hbm>> -> memref<128x2048xf32, #tpu.memory_space<hbm>>
    %dma_start3A_124 = arith.constant 0 : i32
    %dma_start3A_125 = tpu.memref_slice %arg2[%select_n3A, %dma_start3A_124, %multiple_of3A_119] : memref<16x128x3968xf32, #tpu.memory_space<hbm>> -> memref<1x128x2048xf32, #tpu.memory_space<hbm>>
    %dma_start3A_126 = tpu.memref_squeeze %dma_start3A_125 : memref<1x128x2048xf32, #tpu.memory_space<hbm>> -> memref<128x2048xf32, #tpu.memory_space<hbm>>
    tpu.enqueue_dma source(%dma_start3A_126 : memref<128x2048xf32, #tpu.memory_space<hbm>>) target(%dma_start3A_123 : memref<128x2048xf32, #tpu.memory_space<hbm>>) target_semaphore(%arg4 : memref<!tpu.dma_semaphore, #tpu.memory_space<semaphore_mem>>)
    %dma_wait3A = arith.constant 0 : i32
    %dma_wait3A_127 = tpu.memref_slice %arg3[%select_n3A, %multiple_of3A_37, %dma_wait3A] : memref<16x2048x2048xf32, #tpu.memory_space<hbm>> -> memref<1x128x2048xf32, #tpu.memory_space<hbm>>
    %dma_wait3A_128 = tpu.memref_squeeze %dma_wait3A_127 : memref<1x128x2048xf32, #tpu.memory_space<hbm>> -> memref<128x2048xf32, #tpu.memory_space<hbm>>
    %dma_wait3A_129 = arith.constant 0 : i32
    %dma_wait3A_130 = tpu.memref_slice %arg2[%select_n3A, %dma_wait3A_129, %multiple_of3A] : memref<16x128x3968xf32, #tpu.memory_space<hbm>> -> memref<1x128x2048xf32, #tpu.memory_space<hbm>>
    %dma_wait3A_131 = tpu.memref_squeeze %dma_wait3A_130 : memref<1x128x2048xf32, #tpu.memory_space<hbm>> -> memref<128x2048xf32, #tpu.memory_space<hbm>>
    tpu.wait_dma2 semaphore(%arg4 : memref<!tpu.dma_semaphore, #tpu.memory_space<semaphore_mem>>) src(%dma_wait3A_131 : memref<128x2048xf32, #tpu.memory_space<hbm>>) dst(%dma_wait3A_128 : memref<128x2048xf32, #tpu.memory_space<hbm>>)
    %dma_wait3A_132 = arith.constant 0 : i32
    %dma_wait3A_133 = tpu.memref_slice %arg3[%select_n3A, %multiple_of3A_48, %dma_wait3A_132] : memref<16x2048x2048xf32, #tpu.memory_space<hbm>> -> memref<1x128x2048xf32, #tpu.memory_space<hbm>>
    %dma_wait3A_134 = tpu.memref_squeeze %dma_wait3A_133 : memref<1x128x2048xf32, #tpu.memory_space<hbm>> -> memref<128x2048xf32, #tpu.memory_space<hbm>>
    %dma_wait3A_135 = arith.constant 0 : i32
    %dma_wait3A_136 = tpu.memref_slice %arg2[%select_n3A, %dma_wait3A_135, %multiple_of3A_47] : memref<16x128x3968xf32, #tpu.memory_space<hbm>> -> memref<1x128x2048xf32, #tpu.memory_space<hbm>>
    %dma_wait3A_137 = tpu.memref_squeeze %dma_wait3A_136 : memref<1x128x2048xf32, #tpu.memory_space<hbm>> -> memref<128x2048xf32, #tpu.memory_space<hbm>>
    tpu.wait_dma2 semaphore(%arg4 : memref<!tpu.dma_semaphore, #tpu.memory_space<semaphore_mem>>) src(%dma_wait3A_137 : memref<128x2048xf32, #tpu.memory_space<hbm>>) dst(%dma_wait3A_134 : memref<128x2048xf32, #tpu.memory_space<hbm>>)
    %dma_wait3A_138 = arith.constant 0 : i32
    %dma_wait3A_139 = tpu.memref_slice %arg3[%select_n3A, %multiple_of3A_60, %dma_wait3A_138] : memref<16x2048x2048xf32, #tpu.memory_space<hbm>> -> memref<1x128x2048xf32, #tpu.memory_space<hbm>>
    %dma_wait3A_140 = tpu.memref_squeeze %dma_wait3A_139 : memref<1x128x2048xf32, #tpu.memory_space<hbm>> -> memref<128x2048xf32, #tpu.memory_space<hbm>>
    %dma_wait3A_141 = arith.constant 0 : i32
    %dma_wait3A_142 = tpu.memref_slice %arg2[%select_n3A, %dma_wait3A_141, %multiple_of3A_59] : memref<16x128x3968xf32, #tpu.memory_space<hbm>> -> memref<1x128x2048xf32, #tpu.memory_space<hbm>>
    %dma_wait3A_143 = tpu.memref_squeeze %dma_wait3A_142 : memref<1x128x2048xf32, #tpu.memory_space<hbm>> -> memref<128x2048xf32, #tpu.memory_space<hbm>>
    tpu.wait_dma2 semaphore(%arg4 : memref<!tpu.dma_semaphore, #tpu.memory_space<semaphore_mem>>) src(%dma_wait3A_143 : memref<128x2048xf32, #tpu.memory_space<hbm>>) dst(%dma_wait3A_140 : memref<128x2048xf32, #tpu.memory_space<hbm>>)
    %dma_wait3A_144 = arith.constant 0 : i32
    %dma_wait3A_145 = tpu.memref_slice %arg3[%select_n3A, %multiple_of3A_72, %dma_wait3A_144] : memref<16x2048x2048xf32, #tpu.memory_space<hbm>> -> memref<1x128x2048xf32, #tpu.memory_space<hbm>>
    %dma_wait3A_146 = tpu.memref_squeeze %dma_wait3A_145 : memref<1x128x2048xf32, #tpu.memory_space<hbm>> -> memref<128x2048xf32, #tpu.memory_space<hbm>>
    %dma_wait3A_147 = arith.constant 0 : i32
    %dma_wait3A_148 = tpu.memref_slice %arg2[%select_n3A, %dma_wait3A_147, %multiple_of3A_71] : memref<16x128x3968xf32, #tpu.memory_space<hbm>> -> memref<1x128x2048xf32, #tpu.memory_space<hbm>>
    %dma_wait3A_149 = tpu.memref_squeeze %dma_wait3A_148 : memref<1x128x2048xf32, #tpu.memory_space<hbm>> -> memref<128x2048xf32, #tpu.memory_space<hbm>>
    tpu.wait_dma2 semaphore(%arg4 : memref<!tpu.dma_semaphore, #tpu.memory_space<semaphore_mem>>) src(%dma_wait3A_149 : memref<128x2048xf32, #tpu.memory_space<hbm>>) dst(%dma_wait3A_146 : memref<128x2048xf32, #tpu.memory_space<hbm>>)
    %dma_wait3A_150 = arith.constant 0 : i32
    %dma_wait3A_151 = tpu.memref_slice %arg3[%select_n3A, %multiple_of3A_84, %dma_wait3A_150] : memref<16x2048x2048xf32, #tpu.memory_space<hbm>> -> memref<1x128x2048xf32, #tpu.memory_space<hbm>>
    %dma_wait3A_152 = tpu.memref_squeeze %dma_wait3A_151 : memref<1x128x2048xf32, #tpu.memory_space<hbm>> -> memref<128x2048xf32, #tpu.memory_space<hbm>>
    %dma_wait3A_153 = arith.constant 0 : i32
    %dma_wait3A_154 = tpu.memref_slice %arg2[%select_n3A, %dma_wait3A_153, %multiple_of3A_83] : memref<16x128x3968xf32, #tpu.memory_space<hbm>> -> memref<1x128x2048xf32, #tpu.memory_space<hbm>>
    %dma_wait3A_155 = tpu.memref_squeeze %dma_wait3A_154 : memref<1x128x2048xf32, #tpu.memory_space<hbm>> -> memref<128x2048xf32, #tpu.memory_space<hbm>>
    tpu.wait_dma2 semaphore(%arg4 : memref<!tpu.dma_semaphore, #tpu.memory_space<semaphore_mem>>) src(%dma_wait3A_155 : memref<128x2048xf32, #tpu.memory_space<hbm>>) dst(%dma_wait3A_152 : memref<128x2048xf32, #tpu.memory_space<hbm>>)
    %dma_wait3A_156 = arith.constant 0 : i32
    %dma_wait3A_157 = tpu.memref_slice %arg3[%select_n3A, %multiple_of3A_96, %dma_wait3A_156] : memref<16x2048x2048xf32, #tpu.memory_space<hbm>> -> memref<1x128x2048xf32, #tpu.memory_space<hbm>>
    %dma_wait3A_158 = tpu.memref_squeeze %dma_wait3A_157 : memref<1x128x2048xf32, #tpu.memory_space<hbm>> -> memref<128x2048xf32, #tpu.memory_space<hbm>>
    %dma_wait3A_159 = arith.constant 0 : i32
    %dma_wait3A_160 = tpu.memref_slice %arg2[%select_n3A, %dma_wait3A_159, %multiple_of3A_95] : memref<16x128x3968xf32, #tpu.memory_space<hbm>> -> memref<1x128x2048xf32, #tpu.memory_space<hbm>>
    %dma_wait3A_161 = tpu.memref_squeeze %dma_wait3A_160 : memref<1x128x2048xf32, #tpu.memory_space<hbm>> -> memref<128x2048xf32, #tpu.memory_space<hbm>>
    tpu.wait_dma2 semaphore(%arg4 : memref<!tpu.dma_semaphore, #tpu.memory_space<semaphore_mem>>) src(%dma_wait3A_161 : memref<128x2048xf32, #tpu.memory_space<hbm>>) dst(%dma_wait3A_158 : memref<128x2048xf32, #tpu.memory_space<hbm>>)
    %dma_wait3A_162 = arith.constant 0 : i32
    %dma_wait3A_163 = tpu.memref_slice %arg3[%select_n3A, %multiple_of3A_108, %dma_wait3A_162] : memref<16x2048x2048xf32, #tpu.memory_space<hbm>> -> memref<1x128x2048xf32, #tpu.memory_space<hbm>>
    %dma_wait3A_164 = tpu.memref_squeeze %dma_wait3A_163 : memref<1x128x2048xf32, #tpu.memory_space<hbm>> -> memref<128x2048xf32, #tpu.memory_space<hbm>>
    %dma_wait3A_165 = arith.constant 0 : i32
    %dma_wait3A_166 = tpu.memref_slice %arg2[%select_n3A, %dma_wait3A_165, %multiple_of3A_107] : memref<16x128x3968xf32, #tpu.memory_space<hbm>> -> memref<1x128x2048xf32, #tpu.memory_space<hbm>>
    %dma_wait3A_167 = tpu.memref_squeeze %dma_wait3A_166 : memref<1x128x2048xf32, #tpu.memory_space<hbm>> -> memref<128x2048xf32, #tpu.memory_space<hbm>>
    tpu.wait_dma2 semaphore(%arg4 : memref<!tpu.dma_semaphore, #tpu.memory_space<semaphore_mem>>) src(%dma_wait3A_167 : memref<128x2048xf32, #tpu.memory_space<hbm>>) dst(%dma_wait3A_164 : memref<128x2048xf32, #tpu.memory_space<hbm>>)
    %dma_wait3A_168 = arith.constant 0 : i32
    %dma_wait3A_169 = tpu.memref_slice %arg3[%select_n3A, %multiple_of3A_120, %dma_wait3A_168] : memref<16x2048x2048xf32, #tpu.memory_space<hbm>> -> memref<1x128x2048xf32, #tpu.memory_space<hbm>>
    %dma_wait3A_170 = tpu.memref_squeeze %dma_wait3A_169 : memref<1x128x2048xf32, #tpu.memory_space<hbm>> -> memref<128x2048xf32, #tpu.memory_space<hbm>>
    %dma_wait3A_171 = arith.constant 0 : i32
    %dma_wait3A_172 = tpu.memref_slice %arg2[%select_n3A, %dma_wait3A_171, %multiple_of3A_119] : memref<16x128x3968xf32, #tpu.memory_space<hbm>> -> memref<1x128x2048xf32, #tpu.memory_space<hbm>>
    %dma_wait3A_173 = tpu.memref_squeeze %dma_wait3A_172 : memref<1x128x2048xf32, #tpu.memory_space<hbm>> -> memref<128x2048xf32, #tpu.memory_space<hbm>>
    tpu.wait_dma2 semaphore(%arg4 : memref<!tpu.dma_semaphore, #tpu.memory_space<semaphore_mem>>) src(%dma_wait3A_173 : memref<128x2048xf32, #tpu.memory_space<hbm>>) dst(%dma_wait3A_170 : memref<128x2048xf32, #tpu.memory_space<hbm>>)
    return
  }
}

module attributes {stable_mosaic.version = 14 : i64} {
  func.func @_table_body(%arg0: i32, %arg1: memref<1xi32, #tpu.memory_space<smem>>, %arg2: memref<32x16xf32, #tpu.memory_space<vmem>>, %arg3: memref<16x8x3968xf32, #tpu.memory_space<vmem>>) attributes {dimension_semantics = [#tpu.dimension_semantics<arbitrary>], iteration_bounds = array<i64: 16>, scalar_prefetch = 0 : i64, scratch_operands = 0 : i64, tpu.core_type = #tpu.core_type<tc>, window_params = [{transform_indices = @transform_0, window_bounds = array<i64: 1>}, {pipeline_mode = #tpu.pipeline_mode<synchronous>, transform_indices = @transform_1, window_bounds = array<i64: 32, 16>}, {transform_indices = @transform_2, window_bounds = array<i64: 16, 8, 3968>}]} {
    %sub3A = arith.constant 15 : i32
    %sub3A_0 = arith.subi %sub3A, %arg0 : i32
    %get3A = arith.constant 0 : index
    %get3A_1 = memref.load %arg1[%get3A] : memref<1xi32, #tpu.memory_space<smem>>
    %iota3A = tpu.iota {dimensions = array<i32: 1>} : vector<1x4224xi32>
    %mul3A = arith.constant 8 : i32
    %mul3A_2 = arith.muli %mul3A, %sub3A_0 : i32
    %add3A = vector.broadcast %mul3A_2 : i32 to vector<1x4224xi32>
    %add3A_3 = arith.addi %iota3A, %add3A : vector<1x4224xi32>
    %sub3A_4 = arith.constant 2047 : i32
    %sub3A_5 = vector.broadcast %sub3A_4 : i32 to vector<1x4224xi32>
    %sub3A_6 = arith.subi %add3A_3, %sub3A_5 : vector<1x4224xi32>
    %add3A_7 = vector.broadcast %get3A_1 : i32 to vector<1x4224xi32>
    %add3A_8 = arith.addi %sub3A_6, %add3A_7 : vector<1x4224xi32>
    %broadcast_in_dim3A = arith.constant 0 : i32
    %broadcast_in_dim3A_9 = vector.broadcast %broadcast_in_dim3A : i32 to vector<1x4224xi32>
    %min3A = arith.minsi %add3A_8, %broadcast_in_dim3A_9 : vector<1x4224xi32>
    %neg3A = arith.constant 0 : i32
    %neg3A_10 = vector.broadcast %neg3A : i32 to vector<1x4224xi32>
    %neg3A_11 = arith.subi %neg3A_10, %min3A : vector<1x4224xi32>
    %lt3A = arith.constant 16 : i32
    %lt3A_12 = vector.broadcast %lt3A : i32 to vector<1x4224xi32>
    %lt3A_13 = arith.cmpi slt, %neg3A_11, %lt3A_12 : vector<1x4224xi32>
    %convert_element_type3A = arith.sitofp %neg3A_11 : vector<1x4224xi32> to vector<1x4224xf32>
    %div3A = arith.constant 1.600000e+01 : f32
    %div3A_14 = vector.broadcast %div3A : f32 to vector<1x4224xf32>
    %div3A_15 = arith.divf %convert_element_type3A, %div3A_14 : vector<1x4224xf32>
    %add3A_16 = arith.constant 1.000000e+00 : f32
    %add3A_17 = vector.broadcast %add3A_16 : f32 to vector<1x4224xf32>
    %add3A_18 = arith.addf %div3A_15, %add3A_17 : vector<1x4224xf32>
    %log3A = math.log %add3A_18 : vector<1x4224xf32>
    %div3A_19 = arith.constant 2.07944155 : f32
    %div3A_20 = vector.broadcast %div3A_19 : f32 to vector<1x4224xf32>
    %div3A_21 = arith.divf %log3A, %div3A_20 : vector<1x4224xf32>
    %mul3A_22 = arith.constant 1.600000e+01 : f32
    %mul3A_23 = vector.broadcast %mul3A_22 : f32 to vector<1x4224xf32>
    %mul3A_24 = arith.mulf %div3A_21, %mul3A_23 : vector<1x4224xf32>
    %convert_element_type3A_25 = arith.fptosi %mul3A_24 : vector<1x4224xf32> to vector<1x4224xi32>
    %add3A_26 = arith.constant 16 : i32
    %add3A_27 = vector.broadcast %add3A_26 : i32 to vector<1x4224xi32>
    %add3A_28 = arith.addi %add3A_27, %convert_element_type3A_25 : vector<1x4224xi32>
    %broadcast_in_dim3A_29 = arith.constant 31 : i32
    %broadcast_in_dim3A_30 = vector.broadcast %broadcast_in_dim3A_29 : i32 to vector<1x4224xi32>
    %min3A_31 = arith.minsi %add3A_28, %broadcast_in_dim3A_30 : vector<1x4224xi32>
    %select_n3A = arith.select %lt3A_13, %neg3A_11, %min3A_31 : vector<1x4224xi1>, vector<1x4224xi32>
    %iota3A_32 = tpu.iota {dimensions = array<i32: 0>} : vector<32x4224xi32>
    %eq3A = vector.broadcast %select_n3A : vector<1x4224xi32> to vector<32x4224xi32>
    %eq3A_33 = arith.cmpi eq, %eq3A, %iota3A_32 : vector<32x4224xi32>
    %convert_element_type3A_34 = arith.extui %eq3A_33 : vector<32x4224xi1> to vector<32x4224xi32>
    %convert_element_type3A_35 = arith.sitofp %convert_element_type3A_34 : vector<32x4224xi32> to vector<32x4224xf32>
    %get3A_36 = arith.constant 0 : index
    %get3A_37 = arith.constant 0 : index
    %get3A_38 = vector.load %arg2[%get3A_36, %get3A_37] : memref<32x16xf32, #tpu.memory_space<vmem>>, vector<32x16xf32>
    %dot_general3A = arith.constant dense<0.000000e+00> : vector<16x4224xf32>
    %dot_general3A_39 = tpu.matmul %get3A_38, %convert_element_type3A_35, %dot_general3A {dimension_numbers = #tpu.dot_dimension_numbers<[0], [0], [1], [1], [0, 1, 1, 1], [], []>, transpose_lhs_hint = false} : vector<32x16xf32>, vector<32x4224xf32>, vector<16x4224xf32> -> vector<16x4224xf32>
    %slice3A = vector.extract_strided_slice %dot_general3A_39 {offsets = [0, 7], sizes = [16, 3968], strides = [1, 1]} : vector<16x4224xf32> to vector<16x3968xf32>
    %swap3A = arith.constant 0 : index
    %swap3A_40 = arith.constant 0 : index
    %swap3A_41 = arith.constant 0 : index
    %swap3A_42 = vector.load %arg3[%swap3A, %swap3A_40, %swap3A_41] : memref<16x8x3968xf32, #tpu.memory_space<vmem>>, vector<16x1x3968xf32>
    %swap3A_43 = vector.shape_cast %swap3A_42 : vector<16x1x3968xf32> to vector<16x3968xf32>
    %swap3A_44 = vector.shape_cast %slice3A : vector<16x3968xf32> to vector<16x1x3968xf32>
    tpu.vector_store %arg3[%swap3A, %swap3A_40, %swap3A_41], %swap3A_44 {strides = array<i32>} : memref<16x8x3968xf32, #tpu.memory_space<vmem>>, vector<16x1x3968xf32>,
    %slice3A_45 = vector.extract_strided_slice %dot_general3A_39 {offsets = [0, 6], sizes = [16, 3968], strides = [1, 1]} : vector<16x4224xf32> to vector<16x3968xf32>
    %swap3A_46 = arith.constant 0 : index
    %swap3A_47 = arith.constant 1 : index
    %swap3A_48 = arith.constant 0 : index
    %swap3A_49 = vector.load %arg3[%swap3A_46, %swap3A_47, %swap3A_48] : memref<16x8x3968xf32, #tpu.memory_space<vmem>>, vector<16x1x3968xf32>
    %swap3A_50 = vector.shape_cast %swap3A_49 : vector<16x1x3968xf32> to vector<16x3968xf32>
    %swap3A_51 = vector.shape_cast %slice3A_45 : vector<16x3968xf32> to vector<16x1x3968xf32>
    tpu.vector_store %arg3[%swap3A_46, %swap3A_47, %swap3A_48], %swap3A_51 {strides = array<i32>} : memref<16x8x3968xf32, #tpu.memory_space<vmem>>, vector<16x1x3968xf32>,
    %slice3A_52 = vector.extract_strided_slice %dot_general3A_39 {offsets = [0, 5], sizes = [16, 3968], strides = [1, 1]} : vector<16x4224xf32> to vector<16x3968xf32>
    %swap3A_53 = arith.constant 0 : index
    %swap3A_54 = arith.constant 2 : index
    %swap3A_55 = arith.constant 0 : index
    %swap3A_56 = vector.load %arg3[%swap3A_53, %swap3A_54, %swap3A_55] : memref<16x8x3968xf32, #tpu.memory_space<vmem>>, vector<16x1x3968xf32>
    %swap3A_57 = vector.shape_cast %swap3A_56 : vector<16x1x3968xf32> to vector<16x3968xf32>
    %swap3A_58 = vector.shape_cast %slice3A_52 : vector<16x3968xf32> to vector<16x1x3968xf32>
    tpu.vector_store %arg3[%swap3A_53, %swap3A_54, %swap3A_55], %swap3A_58 {strides = array<i32>} : memref<16x8x3968xf32, #tpu.memory_space<vmem>>, vector<16x1x3968xf32>,
    %slice3A_59 = vector.extract_strided_slice %dot_general3A_39 {offsets = [0, 4], sizes = [16, 3968], strides = [1, 1]} : vector<16x4224xf32> to vector<16x3968xf32>
    %swap3A_60 = arith.constant 0 : index
    %swap3A_61 = arith.constant 3 : index
    %swap3A_62 = arith.constant 0 : index
    %swap3A_63 = vector.load %arg3[%swap3A_60, %swap3A_61, %swap3A_62] : memref<16x8x3968xf32, #tpu.memory_space<vmem>>, vector<16x1x3968xf32>
    %swap3A_64 = vector.shape_cast %swap3A_63 : vector<16x1x3968xf32> to vector<16x3968xf32>
    %swap3A_65 = vector.shape_cast %slice3A_59 : vector<16x3968xf32> to vector<16x1x3968xf32>
    tpu.vector_store %arg3[%swap3A_60, %swap3A_61, %swap3A_62], %swap3A_65 {strides = array<i32>} : memref<16x8x3968xf32, #tpu.memory_space<vmem>>, vector<16x1x3968xf32>,
    %slice3A_66 = vector.extract_strided_slice %dot_general3A_39 {offsets = [0, 3], sizes = [16, 3968], strides = [1, 1]} : vector<16x4224xf32> to vector<16x3968xf32>
    %swap3A_67 = arith.constant 0 : index
    %swap3A_68 = arith.constant 4 : index
    %swap3A_69 = arith.constant 0 : index
    %swap3A_70 = vector.load %arg3[%swap3A_67, %swap3A_68, %swap3A_69] : memref<16x8x3968xf32, #tpu.memory_space<vmem>>, vector<16x1x3968xf32>
    %swap3A_71 = vector.shape_cast %swap3A_70 : vector<16x1x3968xf32> to vector<16x3968xf32>
    %swap3A_72 = vector.shape_cast %slice3A_66 : vector<16x3968xf32> to vector<16x1x3968xf32>
    tpu.vector_store %arg3[%swap3A_67, %swap3A_68, %swap3A_69], %swap3A_72 {strides = array<i32>} : memref<16x8x3968xf32, #tpu.memory_space<vmem>>, vector<16x1x3968xf32>,
    %slice3A_73 = vector.extract_strided_slice %dot_general3A_39 {offsets = [0, 2], sizes = [16, 3968], strides = [1, 1]} : vector<16x4224xf32> to vector<16x3968xf32>
    %swap3A_74 = arith.constant 0 : index
    %swap3A_75 = arith.constant 5 : index
    %swap3A_76 = arith.constant 0 : index
    %swap3A_77 = vector.load %arg3[%swap3A_74, %swap3A_75, %swap3A_76] : memref<16x8x3968xf32, #tpu.memory_space<vmem>>, vector<16x1x3968xf32>
    %swap3A_78 = vector.shape_cast %swap3A_77 : vector<16x1x3968xf32> to vector<16x3968xf32>
    %swap3A_79 = vector.shape_cast %slice3A_73 : vector<16x3968xf32> to vector<16x1x3968xf32>
    tpu.vector_store %arg3[%swap3A_74, %swap3A_75, %swap3A_76], %swap3A_79 {strides = array<i32>} : memref<16x8x3968xf32, #tpu.memory_space<vmem>>, vector<16x1x3968xf32>,
    %slice3A_80 = vector.extract_strided_slice %dot_general3A_39 {offsets = [0, 1], sizes = [16, 3968], strides = [1, 1]} : vector<16x4224xf32> to vector<16x3968xf32>
    %swap3A_81 = arith.constant 0 : index
    %swap3A_82 = arith.constant 6 : index
    %swap3A_83 = arith.constant 0 : index
    %swap3A_84 = vector.load %arg3[%swap3A_81, %swap3A_82, %swap3A_83] : memref<16x8x3968xf32, #tpu.memory_space<vmem>>, vector<16x1x3968xf32>
    %swap3A_85 = vector.shape_cast %swap3A_84 : vector<16x1x3968xf32> to vector<16x3968xf32>
    %swap3A_86 = vector.shape_cast %slice3A_80 : vector<16x3968xf32> to vector<16x1x3968xf32>
    tpu.vector_store %arg3[%swap3A_81, %swap3A_82, %swap3A_83], %swap3A_86 {strides = array<i32>} : memref<16x8x3968xf32, #tpu.memory_space<vmem>>, vector<16x1x3968xf32>,
    %slice3A_87 = vector.extract_strided_slice %dot_general3A_39 {offsets = [0, 0], sizes = [16, 3968], strides = [1, 1]} : vector<16x4224xf32> to vector<16x3968xf32>
    %swap3A_88 = arith.constant 0 : index
    %swap3A_89 = arith.constant 7 : index
    %swap3A_90 = arith.constant 0 : index
    %swap3A_91 = vector.load %arg3[%swap3A_88, %swap3A_89, %swap3A_90] : memref<16x8x3968xf32, #tpu.memory_space<vmem>>, vector<16x1x3968xf32>
    %swap3A_92 = vector.shape_cast %swap3A_91 : vector<16x1x3968xf32> to vector<16x3968xf32>
    %swap3A_93 = vector.shape_cast %slice3A_87 : vector<16x3968xf32> to vector<16x1x3968xf32>
    tpu.vector_store %arg3[%swap3A_88, %swap3A_89, %swap3A_90], %swap3A_93 {strides = array<i32>} : memref<16x8x3968xf32, #tpu.memory_space<vmem>>, vector<16x1x3968xf32>,
    return
  }
  func.func @transform_0(%arg0: i32) -> i32 {
    %c0_i32 = arith.constant 0 : i32
    %c0_i32_0 = arith.constant 0 : i32
    return %c0_i32 : i32
  }
  func.func @transform_1(%arg0: i32) -> (i32, i32) {
    %c0_i32 = arith.constant 0 : i32
    %c0_i32_0 = arith.constant 0 : i32
    %c0_i32_1 = arith.constant 0 : i32
    return %c0_i32, %c0_i32_0 : i32, i32
  }
  func.func @transform_2(%arg0: i32) -> (i32, i32, i32) {
    %c0_i32 = arith.constant 0 : i32
    %c0_i32_0 = arith.constant 0 : i32
    %c0_i32_1 = arith.constant 0 : i32
    return %c0_i32, %arg0, %c0_i32_0 : i32, i32, i32
  }
}

</mosaic_0001>

<sc_bundles>
// kernel: kernel.4.cloned.1.call-start
scs
__scs_entry_jumppad:
0x0: {  	(pc) =	sbr.rel $0x88, $3  }
0x1: {  	(tag) =	ssettag $0x0;
	lr =	simm.s32 $0x1  }
0x2: {  	[smem:$0x3F9E] =	sst lr;
	_ =	strace $0xD0000000  }
0x3: {  	_ = 	snop  }
0x4: {  	_ = 	snop  }
0x5: {  	_ = 	snop  }
0x6: {  	_ = 	snop  }
0x7: {  	_ = 	snop  }
__scs_overlays_trampoline_lowered:
0x8: {  	[smem:$0x3FAD] =	sst s0  }
0x9: {  	[smem:$0x3FAE] =	sst s1  }
0xa: {  	[smem:$0x3FAF] =	sst s2  }
0xb: {  	[smem:$0x3FB0] =	sst s3  }
0xc: {  	[smem:$0x3FB1] =	sst s4  }
0xd: {  	[smem:$0x3FB2] =	sst s5  }
0xe: {  	[smem:$0x3FB3] =	sst s6  }
0xf: {  	[smem:$0x3FB4] =	sst s7  }
0x10: {  	[smem:$0x3FB5] =	sst s8  }
0x11: {  	[smem:$0x3FB6] =	sst s9;
	s0 =	simm.s32 @!p0 $0x0  }
0x12: {  	s1 =	sld [smem:$0x3F9C];
	s0 =	simm.s32 @p0 $0x1  }
0x13: {  	[smem:$0x3FB7] =	sst s0;
	s0 =	simm.s32 @!p1 $0x0  }
0x14: {  	s2 =	sld [smem:$0x3F9B];
	s0 =	simm.s32 @p1 $0x1  }
0x15: {  	[smem:$0x3FB8] =	sst s0;
	s0 =	simm.s32 @!p2 $0x0  }
0x16: {  	s3 =	sld [smem:$0x3FDB];
	s0 =	simm.s32 @p2 $0x1  }
0x17: {  	s4 =	simm.s32 $0x1BF5;
	[smem:$0x3FBA] =	sst s0  }
0x18: {  	s0 =	sld [smem:$0x3F9D];
	_ =	swait.ge [sflag:s4], $0x0  }
0x19: {  	s7 =	sld [smem:$0x3F9E]  }
0x1a: {  	s8 =	sadd.s32 $0xFFFFE003, lr  }
0x1b: {  	s9 =	sadd.s32 $0xFFFFFEF7, lr;
	s5 =	simm.s32 $0xFFFFFFFF;
	p2 =	slt.u32 s8, $0xFFFFF086  }
0x1c: {  	p1 =	slt.u32 s9, $0xF7A;
	s5 =	simm.s32 @!p2 $0x0  }
0x1d: {  	s5 =	simm.s32 @p1 $0x1;
	p0 =	seq.s32 s7, s2  }
0x1e: {  	s7 =	smul.u32 @!p0 $0xF7A, s2;
	p2 =	seq.s32 @!p0 s5, $0x0  }
0x1f: {  	s9 =	smul.u32 $0xF7A, s1;
	s8 =	simm.s32 @!p0 $0x1BF5;
	p2 =	por !p2, p0  }
0x20: {  	[sflag:s8] =	ssyncset.s32 @!p0 $0xFFFFF086;
	s6 =	sadd.s32 @!p0 s3, s7;
	s7 =	simm.s32 @!p0 $0x108  }
0x21: {  	s3 =	sadd.s32 s3, s9;
	s6 =	sadd.s32 @!p0 $0x88, s6;
	s7 =	simm.s32 @p2 $0x1082  }
0x22: {  	[simem:s7], [sflag:s8] =	dma.local @!p0 [hbm:s6], $0xF7A  }
0x23: {  	s9 =	sor.u32 $0xD0000000, s2;
	s6 =	simm.s32 $0x108;
	_ =	swait.ge @!p0 [sflag:s8], $0x0  }
0x24: {  	s3 =	sadd.s32 $0x88, s3;
	s6 =	simm.s32 @!p1 $0x1082;
	[sflag:s4] =	ssyncset.s32 $0xFFFFF086  }
0x25: {  	[simem:s6], [sflag:s4] =	dma.local [hbm:s3], $0xF7A  }
0x26: {  	[smem:$0x3F9E] =	sst s1;
	(tag) =	ssettag s2;
	_ =	strace s9  }
0x27: {  	s1 =	sld [smem:$0x3FAE]  }
0x28: {  	s2 =	sld [smem:$0x3FAF]  }
0x29: {  	s4 =	sld [smem:$0x3FB1]  }
0x2a: {  	p0 =	seq.s32 s5, $0x0;
	s5 =	sld [smem:$0x3FB2]  }
0x2b: {  	s6 =	sld [smem:$0x3FB3]  }
0x2c: {  	s7 =	sld [smem:$0x3FB4]  }
0x2d: {  	s3 =	simm.s32 $0x108;
	s8 =	sld [smem:$0x3FB5]  }
0x2e: {  	s3 =	simm.s32 @!p0 $0x1082;
	s9 =	sld [smem:$0x3FB6]  }
0x2f: {  	lr =	sadd.s32 s0, s3;
	s0 =	sld [smem:$0x3FAD]  }
0x30: {  	s3 =	sld [smem:$0x3FB0]  }
0x31: {  	[smem:$0x3FB9] =	sst s10  }
0x32: {  	s10 =	sld [smem:$0x3FB7];
	_ =	sdelay $0x3  }
0x33: {  	p0 =	seq.s32 s10, $0x1;
	s10 =	sld [smem:$0x3FB9];
	_ =	sdelay $0x3  }
0x34: {  	[smem:$0x3FB9] =	sst s10  }
0x35: {  	s10 =	sld [smem:$0x3FB8];
	_ =	sdelay $0x3  }
0x36: {  	p1 =	seq.s32 s10, $0x1;
	s10 =	sld [smem:$0x3FB9];
	_ =	sdelay $0x3  }
0x37: {  	[smem:$0x3FB9] =	sst s10  }
0x38: {  	s10 =	sld [smem:$0x3FBA]  }
0x39: {  	_ = 	snop;
	(pc) =	sbr.ind lr, $3  }
0x3a: {  	_ = 	snop  }
0x3b: {  	_ = 	snop  }
0x3c: {  	p2 =	seq.s32 s10, $0x1;
	s10 =	sld [smem:$0x3FB9]  }
0x3d: {  	_ =	shalt  }
0x3e: {  	_ =	shalt  }
0x3f: {  	_ =	shalt  }
0x40: {  	_ =	shalt  }
0x41: {  	_ =	shalt  }
0x42: {  	_ =	shalt  }
0x43: {  	_ =	shalt  }
0x44: {  	_ =	shalt  }
0x45: {  	_ =	shalt  }
0x46: {  	_ =	shalt  }
0x47: {  	_ =	shalt  }
0x48: {  	_ =	shalt  }
0x49: {  	_ =	shalt  }
0x4a: {  	_ =	shalt  }
0x4b: {  	_ =	shalt  }
0x4c: {  	_ =	shalt  }
0x4d: {  	_ =	shalt  }
0x4e: {  	_ =	shalt  }
0x4f: {  	_ =	shalt  }
0x50: {  	_ =	shalt  }
0x51: {  	_ =	shalt  }
0x52: {  	_ =	shalt  }
0x53: {  	_ =	shalt  }
0x54: {  	_ =	shalt  }
0x55: {  	_ =	shalt  }
0x56: {  	_ =	shalt  }
0x57: {  	_ =	shalt  }
0x58: {  	_ =	shalt  }
0x59: {  	_ =	shalt  }
0x5a: {  	_ =	shalt  }
0x5b: {  	_ =	shalt  }
0x5c: {  	_ =	shalt  }
0x5d: {  	_ =	shalt  }
0x5e: {  	_ =	shalt  }
0x5f: {  	_ =	shalt  }
0x60: {  	_ =	shalt  }
0x61: {  	_ =	shalt  }
0x62: {  	_ =	shalt  }
0x63: {  	_ =	shalt  }
0x64: {  	_ =	shalt  }
0x65: {  	_ =	shalt  }
0x66: {  	_ =	shalt  }
0x67: {  	_ =	shalt  }
0x68: {  	_ =	shalt  }
0x69: {  	_ =	shalt  }
0x6a: {  	_ =	shalt  }
0x6b: {  	_ =	shalt  }
0x6c: {  	_ =	shalt  }
0x6d: {  	_ =	shalt  }
0x6e: {  	_ =	shalt  }
0x6f: {  	_ =	shalt  }
0x70: {  	_ =	shalt  }
0x71: {  	_ =	shalt  }
0x72: {  	_ =	shalt  }
0x73: {  	_ =	shalt  }
0x74: {  	_ =	shalt  }
0x75: {  	_ =	shalt  }
0x76: {  	_ =	shalt  }
0x77: {  	_ =	shalt  }
0x78: {  	_ =	shalt  }
0x79: {  	_ =	shalt  }
0x7a: {  	_ =	shalt  }
0x7b: {  	_ =	shalt  }
0x7c: {  	_ =	shalt  }
0x7d: {  	_ =	shalt  }
0x7e: {  	_ =	shalt  }
0x7f: {  	_ =	shalt  }
0x80: {  	_ =	shalt  }
0x81: {  	_ =	shalt  }
0x82: {  	_ =	shalt  }
0x83: {  	_ =	shalt  }
0x84: {  	_ =	shalt  }
0x85: {  	_ =	shalt  }
0x86: {  	_ =	shalt  }
0x87: {  	_ =	shalt  }
.Lfunc_end0:
.L_simem_size_0:
called_computation_lowered:
.L_overlay_start_0:
0x88: {  	s2 =	sld [smem:$0x3FD9]  }
0x89: {  	s3 =	sld [smem:$0x3FFE];
	_ =	sdelay $0x1  }
0x8a: {  	s1 =	srdreg.scid  }
0x8b: {  	s0 =	sand.u32 $0x1, s1  }
0x8c: {  	s17 =	sshll.u32 s0, $0xA;
	s2 =	sadd.s32 s3, s2  }
0x8d: {  	s2 =	sadd.s32 s2, s17  }
0x8e: {  	[smem:$0x3FC5] =	sst s2  }
0x8f: {  	_ = 	snop  }
0x90: {  	s2 =	sld [smem:$0x3FD0];
	(tm) =	ssettm $0x1  }
0x91: {  	s18 =	sld [smem:$0x3FFB];
	_ =	sdelay $0x3  }
0x92: {  	_ =	strace s18  }
0x93: {  	s3 =	sld [smem:$0x3FFC];
	_ =	sdelay $0x3  }
0x94: {  	_ =	strace s3  }
0x95: {  	s3 =	sld [smem:$0x3FFD];
	_ =	sdelay $0x3  }
0x96: {  	_ =	strace s3  }
0x97: {  	_ =	strace $0x8FFFFFFF  }
0x98: {  	s19 =	sld [smem:$0x3FDB];
	_ =	sdelay $0x1  }
0x99: {  	s4 =	simm.s32 $_scs_section_size  }
0x9a: {  	s5 =	simm.s32 $_size__tile_overlayer_lowered;
	s6 =	simm.s32 $_tile_overlayer_lowered  }
0x9b: {  	s22 =	simm.s32 $0x1BFF;
	s21 =	sshll.u32 s6, $0x1;
	s3 =	sadd.s32 s4, s19  }
0x9c: {  	s7 =	simm.s32 $0x0;
	s20 =	sshll.u32 s5, $0x1;
	s5 =	sadd.s32 s21, s3  }
0x9d: {  	[timem:s7], [sflag:s22] =	dma.local [hbm:s5], s20  }
0x9e: {  	_ =	swait.ge [sflag:s22], s20  }
0x9f: {  	s4 =	ssub.s32 $0x0, s20;
	[sflag:s22] =	ssyncset.done $0x0  }
0xa0: {  	[sflag:s22] =	ssyncadd.s32 s4;
	_ =	sdelay $0x1  }
0xa1: {  	s23 =	simm.s32 $0x1B8B  }
0xa2: {  	_ =	swait.ge [sflag:s23], $0x1  }
0xa3: {  	[sflag:s23] =	ssyncset.done $0x0  }
0xa4: {  	s25 =	simm.s32 $0x1B8E;
	s24 =	sld [smem:$0x3FFE];
	[sflag:s23] =	ssyncadd.s32 $0xFFFFFFFF  }
0xa5: {  	s26 =	simm.s32 $execute0_lowered;
	[smem:$0x3FD2] =	sst s25  }
0xa6: {  	s5 =	sshll.u32 s26, $0x1;
	_ =	strace $0x80000046;
	[dreg:$0x1] =	wrdreg $0xFFFFFFFF  }
0xa7: {  	s28 =	simm.s32 $_size_execute0_lowered;
	s3 =	sadd.s32 s3, s5;
	[dreg:$0x0] =	wrdreg $0x0  }
0xa8: {  	s5 =	sshll.u32 s28, $0x1;
	[dreg:$0x2] =	wrdreg s3  }
0xa9: {  	[dreg:$0x3] =	wrdreg s5  }
0xaa: {  	[dreg:$0x4] =	wrdreg $0xC0  }
0xab: {  	_ =	task [dreg:s7], $0x5FFFF  }
0xac: {  	[dreg:$0x1] =	wrdreg $0xFFFFFFFF  }
0xad: {  	[dreg:$0x0] =	wrdreg $0x60  }
0xae: {  	[dreg:$0x2] =	wrdreg s24  }
0xaf: {  	[dreg:$0x3] =	wrdreg s2  }
0xb0: {  	[dreg:$0x4] =	wrdreg $0x9  }
0xb1: {  	_ =	task.clear_ibuf [dreg:s7], $0x5FFFF;
	_ =	strace $0x90000046  }
0xb2: {  	s29 =	simm.s32 $0x9;
	_ =	strace $0x80000048  }
0xb3: {  	_ =	swait.ge [sflag:s29], $0x1  }
0xb4: {  	[sflag:s29] =	ssyncadd.s32 $0xFFFFFFFF  }
0xb5: {  	_ =	strace $0x90000048  }
0xb6: {  	_ =	sfence  }
0xb7: {  	s30 =	sld [smem:$0x0];
	_ =	sdelay $0x2  }
0xb8: {  	s31 =	sshll.u32 s1, $0xD;
	s1 =	sshrl.u32 s1, $0x2  }
0xb9: {  	s3 =	sand.u32 $0x4000, s31;
	s1 =	sadd.s32 s1, s30  }
0xba: {  	s0 =	sor.u32 s3, s0;
	s1 =	sshll.u32 s1, $0x11  }
0xbb: {  	s0 =	sor.u32 s1, s0  }
0xbc: {  	s0 =	sadd.s32 $0x8F2B, s0  }
0xbd: {  	[sflag:s0] =	ssyncadd.remote.s32 $0x1  }
0xbe: {  	_ =	sfence.sel $0xFFFF  }
0xbf: {  	[dreg:$0x0] =	wrdreg $0xFFFFFFFF;
	(pc) =	sbr.abs _section_cstart, $3  }
0xc0: {  	[dreg:$0x1] =	wrdreg $0xFFFFFFFF  }
0xc1: {  	_ =	task.clear_ibuf [dreg:s7], $0x2FFFF;
	_ =	strace $0x9FFFFFFF  }
0xc2: {  	(tm) =	ssettm $0x7FFFFFFF  }
0xc3: {  	_ =	shalt  }
tec
execute0_lowered:
.L_overlay_start_1:
0x0: {  	(tag) =	ssettag $0x1  }
0x1: {  	s1 =	srdreg.scid  }
0x2: {  	s0 =	stileid.u32;
	s23 =	sand.u32 $0x1, s1  }
0x3: {  	s1 =	sor.u32 s23, s0  }
0x4: {  	s2 =	rddreg [dreg:$0x0];
	p1 =	seq.s32 s23, $0x1;
	p0 =	seq.s32 s1, $0x0  }
0x5: {  	s3 =	rddreg [dreg:$0x1];
	p0 =	por !p0, !p1  }
0x6: {  	s4 =	simm.s32 $0x1;
	s5 =	simm.s32 $0x0;
	p0 =	por !p0, !p0  }
0x7: {  	s21 =	simm.s32 $0x800;
	s22 =	simm.s32 $0xF80;
	s4 =	simm.s32 @!p0 $0x0  }
0x8: {  	[smem:$0x7FF] =	sst s5;
	s19 =	sadd.s32 $0x400, s2;
	s4 =	ssub.s32 s0, s4  }
0x9: {  	s2 =	simm.s32 $0x1;
	s31 =	sshll.u32 s0, $0x6;
	s29 =	smul.u32 $0x7C000, s4  }
0xa: {  	s6 =	sshll.u32 s23, $0x15;
	s7 =	sshll.u32 s23, $0xD;
	s4 =	sshll.u32 s4, $0x16  }
0xb: {  	s1 =	rddreg [dreg:$0x2];
	s4 =	sor.u32 s6, s4;
	s16 =	ssub.s32 s29, s7  }
0xc: {  	_ =	strace $0x80000047;
	s4 =	sshrl.u32 s4, $0x3;
	s5 =	sadd.s32 $0x3C00, s16  }
0xd: {  	s3 =	sadd.s32 s3, s4;
	s7 =	sadd.s32 $0x3800, s16;
	s8 =	sadd.s32 $0x3400, s16  }
0xe: {  	s10 =	sadd.s32 $0x3000, s16;
	s13 =	sadd.s32 $0x2C00, s16;
	s15 =	sadd.s32 $0x2800, s16  }
0xf: {  	s17 =	sadd.s32 $0x2400, s16;
	s18 =	sadd.s32 $0x2000, s16;
	s30 =	sshrl.u32 s5, $0x3  }
0x10: {  	s5 =	sor.u32 $0x1C01, s31;
	s6 =	sadd.s32 $0x8000, s3;
	s7 =	sshrl.u32 s7, $0x3  }
0x11: {  	s9 =	sshrl.u32 s8, $0x3;
	s8 =	sadd.s32 $0x10000, s3;
	s11 =	sshrl.u32 s10, $0x3  }
0x12: {  	s10 =	sadd.s32 $0x18000, s3;
	s12 =	sadd.s32 $0x20000, s3;
	s13 =	sshrl.u32 s13, $0x3  }
0x13: {  	s14 =	sadd.s32 $0x28000, s3;
	s15 =	sshrl.u32 s15, $0x3;
	s16 =	sadd.s32 $0x30000, s3  }
0x14: {  	s17 =	sshrl.u32 s17, $0x3;
	s20 =	sshrl.u32 s18, $0x3;
	s18 =	sadd.s32 $0x38000, s3  }
0x15: {  	s4 =	sadd.s32 s19, s30;
	s7 =	sadd.s32 s19, s7;
	s9 =	sadd.s32 s19, s9  }
0x16: {  	s11 =	sadd.s32 s19, s11;
	s13 =	sadd.s32 s19, s13;
	s15 =	sadd.s32 s19, s15  }
0x17: {  	s17 =	sadd.s32 s19, s17;
	s19 =	sadd.s32 s19, s20;
	s20 =	simm.s32 $0x80  }
0x18: {  	[hbm:s3@s21], [sflag:s5] =	dma.strided [hbm:s4@s22], $0x8000, s20, $0x10   }
0x19: {  	[hbm:s6@s21], [sflag:s5] =	dma.strided [hbm:s7@s22], $0x8000, s20, $0x10   }
0x1a: {  	[hbm:s8@s21], [sflag:s5] =	dma.strided [hbm:s9@s22], $0x8000, s20, $0x10   }
0x1b: {  	[hbm:s10@s21], [sflag:s5] =	dma.strided [hbm:s11@s22], $0x8000, s20, $0x10   }
0x1c: {  	[hbm:s12@s21], [sflag:s5] =	dma.strided [hbm:s13@s22], $0x8000, s20, $0x10   }
0x1d: {  	[hbm:s14@s21], [sflag:s5] =	dma.strided [hbm:s15@s22], $0x8000, s20, $0x10   }
0x1e: {  	[hbm:s16@s21], [sflag:s5] =	dma.strided [hbm:s17@s22], $0x8000, s20, $0x10   }
0x1f: {  	[hbm:s18@s21], [sflag:s5] =	dma.strided [hbm:s19@s22], $0x8000, s20, $0x10   }
0x20: {  	_ =	swait.ge [sflag:s2], $0x8000  }
0x21: {  	[sflag:s2] =	ssyncset.done $0x0  }
0x22: {  	[sflag:s2] =	ssyncadd.s32 $0xFFFF8000  }
0x23: {  	_ =	swait.ge [sflag:s2], $0x8000  }
0x24: {  	[sflag:s2] =	ssyncset.done $0x0  }
0x25: {  	[sflag:s2] =	ssyncadd.s32 $0xFFFF8000  }
0x26: {  	_ =	swait.ge [sflag:s2], $0x8000  }
0x27: {  	[sflag:s2] =	ssyncset.done $0x0  }
0x28: {  	[sflag:s2] =	ssyncadd.s32 $0xFFFF8000  }
0x29: {  	_ =	swait.ge [sflag:s2], $0x8000  }
0x2a: {  	[sflag:s2] =	ssyncset.done $0x0  }
0x2b: {  	[sflag:s2] =	ssyncadd.s32 $0xFFFF8000  }
0x2c: {  	_ =	swait.ge [sflag:s2], $0x8000  }
0x2d: {  	s23 =	ssub.s32 $0x2, s23;
	[sflag:s2] =	ssyncset.done $0x0  }
0x2e: {  	s24 =	sshrl.u32 s23, $0x1;
	[sflag:s2] =	ssyncadd.s32 $0xFFFF8000  }
0x2f: {  	s23 =	ssub.s32 s23, s24;
	_ =	swait.ge [sflag:s2], $0x8000  }
0x30: {  	s23 =	smax.u32 s23, $0x1;
	[sflag:s2] =	ssyncset.done $0x0  }
0x31: {  	p0 =	sne.s32 s23, $0x1;
	[sflag:s2] =	ssyncadd.s32 $0xFFFF8000  }
.Ltmp0:
0x32: {  	_ =	swait.ge [sflag:s2], $0x8000;
	(pc) =	sbr.rel @!p0 .LBB2_2-.Ltmp0, $4  }
0x33: {  	[sflag:s2] =	ssyncset.done $0x0  }
0x34: {  	[sflag:s2] =	ssyncadd.s32 $0xFFFF8000  }
0x35: {  	_ =	swait.ge [sflag:s2], $0x8000  }
0x36: {  	s23 =	sadd.s32 $0xFFFFFFFF, s23;
	[sflag:s2] =	ssyncset.done $0x0  }
.LBB2_1:
0x37: {  	p0 =	sne.s32 s23, $0x1;
	s23 =	sadd.s32 $0xFFFFFFFF, s23;
	[sflag:s2] =	ssyncadd.s32 $0xFFFF8000  }
0x38: {  	[hbm:s3@s21], [sflag:s5] =	dma.strided [hbm:s4@s22], $0x8000, s20, $0x10   }
0x39: {  	[hbm:s6@s21], [sflag:s5] =	dma.strided [hbm:s7@s22], $0x8000, s20, $0x10   }
0x3a: {  	[hbm:s8@s21], [sflag:s5] =	dma.strided [hbm:s9@s22], $0x8000, s20, $0x10   }
0x3b: {  	[hbm:s10@s21], [sflag:s5] =	dma.strided [hbm:s11@s22], $0x8000, s20, $0x10   }
0x3c: {  	[hbm:s12@s21], [sflag:s5] =	dma.strided [hbm:s13@s22], $0x8000, s20, $0x10   }
0x3d: {  	[hbm:s14@s21], [sflag:s5] =	dma.strided [hbm:s15@s22], $0x8000, s20, $0x10   }
0x3e: {  	[hbm:s16@s21], [sflag:s5] =	dma.strided [hbm:s17@s22], $0x8000, s20, $0x10   }
0x3f: {  	[hbm:s18@s21], [sflag:s5] =	dma.strided [hbm:s19@s22], $0x8000, s20, $0x10   }
0x40: {  	_ =	swait.ge [sflag:s2], $0x8000  }
0x41: {  	[sflag:s2] =	ssyncset.done $0x0  }
0x42: {  	[sflag:s2] =	ssyncadd.s32 $0xFFFF8000  }
0x43: {  	_ =	swait.ge [sflag:s2], $0x8000  }
0x44: {  	[sflag:s2] =	ssyncset.done $0x0  }
0x45: {  	[sflag:s2] =	ssyncadd.s32 $0xFFFF8000  }
0x46: {  	_ =	swait.ge [sflag:s2], $0x8000  }
0x47: {  	[sflag:s2] =	ssyncset.done $0x0  }
0x48: {  	[sflag:s2] =	ssyncadd.s32 $0xFFFF8000  }
0x49: {  	_ =	swait.ge [sflag:s2], $0x8000  }
0x4a: {  	[sflag:s2] =	ssyncset.done $0x0  }
0x4b: {  	[sflag:s2] =	ssyncadd.s32 $0xFFFF8000  }
0x4c: {  	_ =	swait.ge [sflag:s2], $0x8000  }
0x4d: {  	[sflag:s2] =	ssyncset.done $0x0  }
0x4e: {  	[sflag:s2] =	ssyncadd.s32 $0xFFFF8000  }
0x4f: {  	_ =	swait.ge [sflag:s2], $0x8000  }
0x50: {  	[sflag:s2] =	ssyncset.done $0x0  }
0x51: {  	[sflag:s2] =	ssyncadd.s32 $0xFFFF8000  }
.Ltmp1:
0x52: {  	_ =	swait.ge [sflag:s2], $0x8000;
	(pc) =	sbr.rel @p0 .LBB2_1-.Ltmp1, $4  }
0x53: {  	[sflag:s2] =	ssyncset.done $0x0  }
0x54: {  	[sflag:s2] =	ssyncadd.s32 $0xFFFF8000  }
0x55: {  	_ =	swait.ge [sflag:s2], $0x8000  }
0x56: {  	[sflag:s2] =	ssyncset.done $0x0  }
.LBB2_2:
0x57: {  	[sflag:s2] =	ssyncadd.s32 $0xFFFF8000  }
0x58: {  	_ =	sfence.sel $0x180000  }
0x59: {  	[bflag:$0x0] =	sbarrier.arrive $0xFFFF  }
0x5a: {  	p0 =	sne.s32 s0, $0x0;
	_ =	strace $0x90000047  }
0x5b: {  	s0 =	sadd.s32 @!p0 $0x100000, s1;
	[bflag:$0x2] =	sbarrier.arrive $0xFFFF  }
0x5c: {  	[sflag:s0] =	ssyncadd.tile.s32 @!p0 $0x1;
	_ =	shalt  }
.Lfunc_end2:
_tile_overlayer_lowered:
.L_overlay_start_2:
0x5d: {  	(tag) =	ssettag $0x2  }
0x5e: {  	s0 =	rddreg [dreg:$0x0];
	s2 =	stileid.u32  }
0x5f: {  	s1 =	rddreg [dreg:$0x1];
	p0 =	sne.s32 s2, $0x0  }
0x60: {  	s3 =	rddreg [dreg:$0x2];
	[bflag:$0x3] =	sbarrier.arrive $0xFFFF;
	s2 =	simm.s32 @!p0 $0x1C02  }
0x61: {  	[timem:s3], [sflag:s2] =	dma.local @!p0 [hbm:s0], s1  }
0x62: {  	s0 =	simm.s32 @!p0 $0x2  }
0x63: {  	_ =	swait.ge @!p0 [sflag:s0], s1  }
0x64: {  	s1 =	ssub.s32 @!p0 $0x0, s1;
	[sflag:s0] =	ssyncset.done @!p0 $0x0  }
0x65: {  	[sflag:s0] =	ssyncadd.s32 @!p0 s1  }
0x66: {  	[bflag:$0x3] =	sbarrier.arrive $0xFFFF  }
0x67: {  	_ =	shalt  }

</sc_bundles>
